<compile_context>
chip_gen: v7x
topology: tpu7x:2x2x1
jax: 0.10.2.dev20260603
libtpu: 0.0.44.dev20260713+nightly
codegen_flags: <defaults>
</compile_context>

<pallas_src>
import jax
import jax.numpy as jnp
from jax import lax
from jax.experimental import pallas as pl
from jax.experimental.pallas import tpu as pltpu
from jax.experimental.pallas import tpu_sc as plsc

N_WORDS = 8192
K_ANT = 64
EMB = 32
M = N_WORDS * K_ANT
NC, NS = 2, 16
NW = NC * NS
CHUNK = M // NW
LANES = 16


def _sc_codes_body(top_hbm, spk_hbm, c_hbm, spk_v, top_v, c_v):
    wid = lax.axis_index("s") * NC + lax.axis_index("c")
    base = wid * CHUNK
    pltpu.sync_copy(spk_hbm, spk_v)
    pltpu.sync_copy(top_hbm.at[pl.ds(base, CHUNK)], top_v)

    def body(k, carry):
        off = k * LANES
        t = top_v[pl.ds(off, LANES)]
        p = base + off + lax.iota(jnp.int32, LANES)
        i = lax.shift_right_logical(p, 6)
        s_t = plsc.load_gather(spk_v, [t])
        s_i = plsc.load_gather(spk_v, [i])
        ss = (s_t == s_i).astype(jnp.int32)
        dist = jnp.maximum(i - t, 1)
        e = lax.shift_right_logical(
            lax.bitcast_convert_type(dist.astype(jnp.float32), jnp.int32), 23) - 127
        di = jnp.where(dist < 5, dist - 1, jnp.minimum(e, 6) + 2)
        c_v[pl.ds(off, LANES)] = ss * 9 + di
        return carry

    lax.fori_loop(0, CHUNK // LANES, body, 0)
    pltpu.sync_copy(c_v, c_hbm.at[pl.ds(base, CHUNK)])


_SC_CODES_CACHE = []


def _sc_codes():
    if not _SC_CODES_CACHE:
        _SC_CODES_CACHE.append(pl.kernel(
            _sc_codes_body,
            out_type=jax.ShapeDtypeStruct((M,), jnp.int32),
            mesh=plsc.VectorSubcoreMesh(
                core_axis_name="c", subcore_axis_name="s",
                num_cores=NC, num_subcores=NS),
            compiler_params=pltpu.CompilerParams(needs_layout_passes=False),
            scratch_types=[
                pltpu.VMEM((N_WORDS,), jnp.int32),
                pltpu.VMEM((CHUNK,), jnp.int32),
                pltpu.VMEM((CHUNK,), jnp.int32),
            ],
        ))
    return _SC_CODES_CACHE[0]

BP = 8192
GRID = M // BP


BR = BP // 128


def _expand_body(c_ref, gid_ref, g_ref, d_ref, s_ref, out_ref):
    gid = gid_ref[...]
    g_row = jnp.zeros((1, EMB), jnp.float32)
    for k in range(7):
        g_row = g_row + jnp.where(gid == k, g_ref[k:k + 1, :], 0.0)
    row = lax.broadcasted_iota(jnp.int32, (32, 1), 0)
    spk_part = jnp.where(row < 9, s_ref[0:1, :], s_ref[1:2, :])
    dist_part = jnp.concatenate(
        [d_ref[...], d_ref[...], jnp.zeros((14, EMB), jnp.float32)], axis=0)
    genre_part = jnp.broadcast_to(g_row, (32, EMB))
    tab = jnp.concatenate([spk_part, dist_part, genre_part], axis=1)
    cb = c_ref[...]
    oh3 = (cb[:, :, None] ==
           lax.broadcasted_iota(jnp.int32, (BR, 128, 32), 2)).astype(jnp.float32)
    oh = jnp.reshape(oh3, (BP, 32))
    out_ref[...] = jnp.dot(oh, tab, preferred_element_type=jnp.float32)


_expand = pl.pallas_call(
    _expand_body,
    grid=(GRID,),
    in_specs=[
        pl.BlockSpec((BR, 128), lambda b: (b, 0)),
        pl.BlockSpec((1, 1), lambda b: (0, 0)),
        pl.BlockSpec((7, EMB), lambda b: (0, 0)),
        pl.BlockSpec((9, EMB), lambda b: (0, 0)),
        pl.BlockSpec((2, EMB), lambda b: (0, 0)),
    ],
    out_specs=pl.BlockSpec((BP, 96), lambda b: (b, 0)),
    out_shape=jax.ShapeDtypeStruct((M, 96), jnp.float32),
)


def kernel(top_indices, speaker_map, genre_id, genre_emb, distance_emb, speaker_emb):
    top = top_indices.astype(jnp.int32).reshape(M)
    spk = speaker_map.astype(jnp.int32)
    c = _sc_codes()(top, spk)
    gid = jnp.asarray(genre_id, jnp.int32).reshape(1, 1)
    out = _expand(c.reshape(M // 128, 128), gid,
                  genre_emb.astype(jnp.float32),
                  distance_emb.astype(jnp.float32),
                  speaker_emb.astype(jnp.float32))
    return out.reshape(N_WORDS, K_ANT, 96)

# --- scband reference (transcript-rebuilt; emitter-appended) ---
"""Pipeline reference for scband-pairwise-encoder-3161095929898 (READ-ONLY COPY).

The authoritative reference and input builder live on the scoring server;
editing this copy changes nothing except your own understanding.
"""

import jax, jax.numpy as jnp
import numpy as np

N_WORDS = 8192
K_ANT = 64
EMB = 32


def setup_inputs(seed: int = 0) -> dict:
    key = jax.random.key(seed)
    k1, k2, k3, k4, k5 = jax.random.split(key, 5)
    top_indices = jax.random.randint(k1, (N_WORDS, K_ANT), 0, N_WORDS)
    speaker_map = jax.random.randint(k2, (N_WORDS,), 0, 8)
    genre_emb = jax.random.normal(k3, (7, EMB), dtype=jnp.float32)
    distance_emb = jax.random.normal(k4, (9, EMB), dtype=jnp.float32)
    speaker_emb = jax.random.normal(k5, (2, EMB), dtype=jnp.float32)
    return {
        "top_indices": top_indices,
        "speaker_map": speaker_map,
        "genre_id": 3,
        "genre_emb": genre_emb,
        "distance_emb": distance_emb,
        "speaker_emb": speaker_emb,
    }


def reference(top_indices, speaker_map, genre_id, genre_emb, distance_emb, speaker_emb):
    # Faithful translation of PairwiseEncoder.run (dropout in eval mode = identity).
    n = speaker_map.shape[0]
    word_ids = jnp.arange(n)
    # same-speaker feature: gather speaker ids at antecedent positions, compare
    same_speaker = (jnp.take(speaker_map, top_indices, axis=0) == speaker_map[:, None]).astype(jnp.int32)
    ss_emb = jnp.take(speaker_emb, same_speaker, axis=0)
    # bucketed distance feature
    distance = jnp.maximum(word_ids[:, None] - jnp.take(word_ids, top_indices, axis=0), 1)
    log_distance = jnp.floor(jnp.log2(distance.astype(jnp.float32)))
    log_distance = jnp.minimum(log_distance, 6.0).astype(jnp.int32)
    dist_idx = jnp.where(distance < 5, distance - 1, log_distance + 2)
    d_emb = jnp.take(distance_emb, dist_idx, axis=0)
    # genre feature: one scalar id broadcast over the pair grid
    genre = jnp.full((n, top_indices.shape[1]), genre_id, dtype=jnp.int32)
    g_emb = jnp.take(genre_emb, genre, axis=0)
    return jnp.concatenate((ss_emb, d_emb, g_emb), axis=2)

if __name__ == "__main__":
    import jax
    _d = setup_inputs()
    print(jax.jit(kernel)(*tuple(_d.values())))

</pallas_src>

<mosaic_0001>
#map = affine_map<(d0, d1) -> (0)>
module attributes {stable_mosaic.version = 14 : i64} {
  func.func @_sc_codes_body(%arg0: i32, %arg1: i32, %arg2: memref<524288xi32, #tpu.memory_space<hbm>>, %arg3: memref<8192xi32, #tpu.memory_space<hbm>>, %arg4: memref<524288xi32, #tpu.memory_space<hbm>>, %arg5: memref<8192xi32, #tpu.memory_space<vmem>>, %arg6: memref<16384xi32, #tpu.memory_space<vmem>>, %arg7: memref<16384xi32, #tpu.memory_space<vmem>>) attributes {dimension_semantics = [#tpu.dimension_semantics<core_parallel>, #tpu.dimension_semantics<subcore_parallel>], iteration_bounds = array<i64: 2, 16>, scalar_prefetch = 0 : i64, scratch_operands = 3 : i64, tpu.core_type = #tpu.core_type<sc_vector_subcore>, window_params = [{transform_indices = #map}, {transform_indices = #map}, {transform_indices = #map}]} {
    %mul3A = arith.constant 2 : i32
    %mul3A_0 = arith.muli %arg1, %mul3A : i32
    %add3A = arith.addi %mul3A_0, %arg0 : i32
    %mul3A_1 = arith.constant 16384 : i32
    %mul3A_2 = arith.muli %add3A, %mul3A_1 : i32
    "tpu.region"() ({
      %run_scoped3A = tpu.sem_alloc : memref<!tpu.dma_semaphore, #tpu.memory_space<semaphore_mem>>
      tpu.enqueue_dma source(%arg3 : memref<8192xi32, #tpu.memory_space<hbm>>) target(%arg5 : memref<8192xi32, #tpu.memory_space<vmem>>) target_semaphore(%run_scoped3A : memref<!tpu.dma_semaphore, #tpu.memory_space<semaphore_mem>>)
      tpu.wait_dma2 semaphore(%run_scoped3A : memref<!tpu.dma_semaphore, #tpu.memory_space<semaphore_mem>>) src(%arg3 : memref<8192xi32, #tpu.memory_space<hbm>>) dst(%arg5 : memref<8192xi32, #tpu.memory_space<vmem>>)
      tpu.yield
    }) : () -> ()
    "tpu.region"() ({
      %run_scoped3A = tpu.sem_alloc : memref<!tpu.dma_semaphore, #tpu.memory_space<semaphore_mem>>
      %dma_start3A = tpu.memref_slice %arg2[%mul3A_2] : memref<524288xi32, #tpu.memory_space<hbm>> -> memref<16384xi32, #tpu.memory_space<hbm>>
      %dma_start3A_8 = tpu.memref_slice %arg2[%mul3A_2] : memref<524288xi32, #tpu.memory_space<hbm>> -> memref<16384xi32, #tpu.memory_space<hbm>>
      tpu.enqueue_dma source(%dma_start3A_8 : memref<16384xi32, #tpu.memory_space<hbm>>) target(%arg6 : memref<16384xi32, #tpu.memory_space<vmem>>) target_semaphore(%run_scoped3A : memref<!tpu.dma_semaphore, #tpu.memory_space<semaphore_mem>>)
      %dma_wait3A = tpu.memref_slice %arg2[%mul3A_2] : memref<524288xi32, #tpu.memory_space<hbm>> -> memref<16384xi32, #tpu.memory_space<hbm>>
      %dma_wait3A_9 = tpu.memref_slice %arg2[%mul3A_2] : memref<524288xi32, #tpu.memory_space<hbm>> -> memref<16384xi32, #tpu.memory_space<hbm>>
      tpu.wait_dma2 semaphore(%run_scoped3A : memref<!tpu.dma_semaphore, #tpu.memory_space<semaphore_mem>>) src(%dma_wait3A_9 : memref<16384xi32, #tpu.memory_space<hbm>>) dst(%arg6 : memref<16384xi32, #tpu.memory_space<vmem>>)
      tpu.yield
    }) : () -> ()
    %scan3A = arith.constant 0 : i32
    %scan3A_3 = arith.constant 0 : i32
    %scan3A_4 = arith.constant 1024 : i32
    %scan3A_5 = arith.addi %scan3A_3, %scan3A_4 : i32
    %scan3A_6 = arith.constant 1 : i32
    scf.for %scan3A_8 = %scan3A_3 to %scan3A_5 step %scan3A_6  : i32 {
      %mul3A_9 = arith.constant 16 : i32
      %mul3A_10 = arith.muli %scan3A_8, %mul3A_9 : i32
      %get3A = arith.index_cast %mul3A_10 : i32 to index
      %get3A_11 = tpu.vector_load %arg6[%get3A] {strides = array<i32>} : memref<16384xi32, #tpu.memory_space<vmem>>, vector<16xi32>,
      %add3A_12 = arith.addi %mul3A_2, %mul3A_10 : i32
      %iota3A = tpu.iota {dimensions = array<i32: 0>} : vector<16xi32>
      %add3A_13 = vector.broadcast %add3A_12 : i32 to vector<16xi32>
      %add3A_14 = arith.addi %add3A_13, %iota3A : vector<16xi32>
      %shift_right_logical3A = arith.constant 6 : i32
      %shift_right_logical3A_15 = vector.broadcast %shift_right_logical3A : i32 to vector<16xi32>
      %shift_right_logical3A_16 = arith.shrui %add3A_14, %shift_right_logical3A_15 : vector<16xi32>
      %gather3A = tpu.vector_load_idx %arg5[%get3A_11] : memref<8192xi32, #tpu.memory_space<vmem>>[vector<16xi32>], vector<16xi32>,
      %gather3A_17 = tpu.vector_load_idx %arg5[%shift_right_logical3A_16] : memref<8192xi32, #tpu.memory_space<vmem>>[vector<16xi32>], vector<16xi32>,
      %eq3A = arith.cmpi eq, %gather3A, %gather3A_17 : vector<16xi32>
      %convert_element_type3A = arith.extui %eq3A : vector<16xi1> to vector<16xi32>
      %sub3A = arith.subi %shift_right_logical3A_16, %get3A_11 : vector<16xi32>
      %max3A = arith.constant 1 : i32
      %max3A_18 = vector.broadcast %max3A : i32 to vector<16xi32>
      %max3A_19 = arith.maxsi %sub3A, %max3A_18 : vector<16xi32>
      %convert_element_type3A_20 = arith.sitofp %max3A_19 : vector<16xi32> to vector<16xf32>
      %bitcast_convert_type3A = tpu.bitcast %convert_element_type3A_20 : vector<16xf32> -> vector<16xi32>
      %shift_right_logical3A_21 = arith.constant 23 : i32
      %shift_right_logical3A_22 = vector.broadcast %shift_right_logical3A_21 : i32 to vector<16xi32>
      %shift_right_logical3A_23 = arith.shrui %bitcast_convert_type3A, %shift_right_logical3A_22 : vector<16xi32>
      %sub3A_24 = arith.constant 127 : i32
      %sub3A_25 = vector.broadcast %sub3A_24 : i32 to vector<16xi32>
      %sub3A_26 = arith.subi %shift_right_logical3A_23, %sub3A_25 : vector<16xi32>
      %lt3A = arith.constant 5 : i32
      %lt3A_27 = vector.broadcast %lt3A : i32 to vector<16xi32>
      %lt3A_28 = arith.cmpi slt, %max3A_19, %lt3A_27 : vector<16xi32>
      %sub3A_29 = arith.constant 1 : i32
      %sub3A_30 = vector.broadcast %sub3A_29 : i32 to vector<16xi32>
      %sub3A_31 = arith.subi %max3A_19, %sub3A_30 : vector<16xi32>
      %min3A = arith.constant 6 : i32
      %min3A_32 = vector.broadcast %min3A : i32 to vector<16xi32>
      %min3A_33 = arith.minsi %sub3A_26, %min3A_32 : vector<16xi32>
      %add3A_34 = arith.constant 2 : i32
      %add3A_35 = vector.broadcast %add3A_34 : i32 to vector<16xi32>
      %add3A_36 = arith.addi %min3A_33, %add3A_35 : vector<16xi32>
      %select_n3A = arith.select %lt3A_28, %sub3A_31, %add3A_36 : vector<16xi1>, vector<16xi32>
      %mul3A_37 = arith.constant 9 : i32
      %mul3A_38 = vector.broadcast %mul3A_37 : i32 to vector<16xi32>
      %mul3A_39 = arith.muli %convert_element_type3A, %mul3A_38 : vector<16xi32>
      %add3A_40 = arith.addi %mul3A_39, %select_n3A : vector<16xi32>
      %swap3A = arith.index_cast %mul3A_10 : i32 to index
      %swap3A_41 = tpu.vector_load %arg7[%swap3A] {strides = array<i32>} : memref<16384xi32, #tpu.memory_space<vmem>>, vector<16xi32>,
      tpu.vector_store %arg7[%swap3A], %add3A_40 {strides = array<i32>} : memref<16384xi32, #tpu.memory_space<vmem>>, vector<16xi32>,
    }
    %scan3A_7 = arith.constant 1024 : i32
    "tpu.region"() ({
      %run_scoped3A = tpu.sem_alloc : memref<!tpu.dma_semaphore, #tpu.memory_space<semaphore_mem>>
      %dma_start3A = tpu.memref_slice %arg4[%mul3A_2] : memref<524288xi32, #tpu.memory_space<hbm>> -> memref<16384xi32, #tpu.memory_space<hbm>>
      %dma_start3A_8 = tpu.memref_slice %arg4[%mul3A_2] : memref<524288xi32, #tpu.memory_space<hbm>> -> memref<16384xi32, #tpu.memory_space<hbm>>
      tpu.enqueue_dma source(%arg7 : memref<16384xi32, #tpu.memory_space<vmem>>) target(%dma_start3A_8 : memref<16384xi32, #tpu.memory_space<hbm>>) target_semaphore(%run_scoped3A : memref<!tpu.dma_semaphore, #tpu.memory_space<semaphore_mem>>)
      %dma_wait3A = tpu.memref_slice %arg4[%mul3A_2] : memref<524288xi32, #tpu.memory_space<hbm>> -> memref<16384xi32, #tpu.memory_space<hbm>>
      %dma_wait3A_9 = tpu.memref_slice %arg4[%mul3A_2] : memref<524288xi32, #tpu.memory_space<hbm>> -> memref<16384xi32, #tpu.memory_space<hbm>>
      tpu.wait_dma2 semaphore(%run_scoped3A : memref<!tpu.dma_semaphore, #tpu.memory_space<semaphore_mem>>) src(%arg7 : memref<16384xi32, #tpu.memory_space<vmem>>) dst(%dma_wait3A_9 : memref<16384xi32, #tpu.memory_space<hbm>>)
      tpu.yield
    }) : () -> ()
    return
  }
}

module attributes {stable_mosaic.version = 14 : i64} {
  func.func @_expand_body(%arg0: i32, %arg1: memref<64x128xi32, #tpu.memory_space<vmem>>, %arg2: memref<1x1xi32, #tpu.memory_space<vmem>>, %arg3: memref<7x32xf32, #tpu.memory_space<vmem>>, %arg4: memref<9x32xf32, #tpu.memory_space<vmem>>, %arg5: memref<2x32xf32, #tpu.memory_space<vmem>>, %arg6: memref<8192x96xf32, #tpu.memory_space<vmem>>) attributes {dimension_semantics = [#tpu.dimension_semantics<arbitrary>], iteration_bounds = array<i64: 64>, scalar_prefetch = 0 : i64, scratch_operands = 0 : i64, tpu.core_type = #tpu.core_type<tc>, window_params = [{transform_indices = @transform_0, window_bounds = array<i64: 64, 128>}, {pipeline_mode = #tpu.pipeline_mode<synchronous>, transform_indices = @transform_1, window_bounds = array<i64: 1, 1>}, {pipeline_mode = #tpu.pipeline_mode<synchronous>, transform_indices = @transform_2, window_bounds = array<i64: 7, 32>}, {pipeline_mode = #tpu.pipeline_mode<synchronous>, transform_indices = @transform_3, window_bounds = array<i64: 9, 32>}, {pipeline_mode = #tpu.pipeline_mode<synchronous>, transform_indices = @transform_4, window_bounds = array<i64: 2, 32>}, {transform_indices = @transform_5, window_bounds = array<i64: 8192, 96>}]} {
    %get3A = arith.constant 0 : index
    %get3A_0 = arith.constant 0 : index
    %get3A_1 = vector.load %arg2[%get3A, %get3A_0] : memref<1x1xi32, #tpu.memory_space<vmem>>, vector<1x1xi32>
    %broadcast_in_dim3A = arith.constant 0.000000e+00 : f32
    %broadcast_in_dim3A_2 = vector.broadcast %broadcast_in_dim3A : f32 to vector<1x32xf32>
    %eq3A = arith.constant 0 : i32
    %eq3A_3 = vector.broadcast %eq3A : i32 to vector<1x1xi32>
    %eq3A_4 = arith.cmpi eq, %get3A_1, %eq3A_3 : vector<1x1xi32>
    %get3A_5 = arith.constant 0 : index
    %get3A_6 = arith.constant 0 : index
    %get3A_7 = vector.load %arg3[%get3A_5, %get3A_6] : memref<7x32xf32, #tpu.memory_space<vmem>>, vector<1x32xf32>
    %jit3A = arith.constant 0.000000e+00 : f32
    %broadcast_in_dim3A_8 = vector.shape_cast %eq3A_4 : vector<1x1xi1> to vector<1x1xi1>
    %broadcast_in_dim3A_9 = vector.broadcast %broadcast_in_dim3A_8 : vector<1x1xi1> to vector<1x32xi1>
    %broadcast_in_dim3A_10 = vector.broadcast %jit3A : f32 to vector<1x32xf32>
    %select_n3A = arith.select %broadcast_in_dim3A_9, %get3A_7, %broadcast_in_dim3A_10 : vector<1x32xi1>, vector<1x32xf32>
    %add3A = arith.addf %broadcast_in_dim3A_2, %select_n3A : vector<1x32xf32>
    %eq3A_11 = arith.constant 1 : i32
    %eq3A_12 = vector.broadcast %eq3A_11 : i32 to vector<1x1xi32>
    %eq3A_13 = arith.cmpi eq, %get3A_1, %eq3A_12 : vector<1x1xi32>
    %get3A_14 = arith.constant 1 : index
    %get3A_15 = arith.constant 0 : index
    %get3A_16 = vector.load %arg3[%get3A_14, %get3A_15] : memref<7x32xf32, #tpu.memory_space<vmem>>, vector<1x32xf32>
    %jit3A_17 = arith.constant 0.000000e+00 : f32
    %broadcast_in_dim3A_18 = vector.shape_cast %eq3A_13 : vector<1x1xi1> to vector<1x1xi1>
    %broadcast_in_dim3A_19 = vector.broadcast %broadcast_in_dim3A_18 : vector<1x1xi1> to vector<1x32xi1>
    %broadcast_in_dim3A_20 = vector.broadcast %jit3A_17 : f32 to vector<1x32xf32>
    %select_n3A_21 = arith.select %broadcast_in_dim3A_19, %get3A_16, %broadcast_in_dim3A_20 : vector<1x32xi1>, vector<1x32xf32>
    %add3A_22 = arith.addf %add3A, %select_n3A_21 : vector<1x32xf32>
    %eq3A_23 = arith.constant 2 : i32
    %eq3A_24 = vector.broadcast %eq3A_23 : i32 to vector<1x1xi32>
    %eq3A_25 = arith.cmpi eq, %get3A_1, %eq3A_24 : vector<1x1xi32>
    %get3A_26 = arith.constant 2 : index
    %get3A_27 = arith.constant 0 : index
    %get3A_28 = vector.load %arg3[%get3A_26, %get3A_27] : memref<7x32xf32, #tpu.memory_space<vmem>>, vector<1x32xf32>
    %jit3A_29 = arith.constant 0.000000e+00 : f32
    %broadcast_in_dim3A_30 = vector.shape_cast %eq3A_25 : vector<1x1xi1> to vector<1x1xi1>
    %broadcast_in_dim3A_31 = vector.broadcast %broadcast_in_dim3A_30 : vector<1x1xi1> to vector<1x32xi1>
    %broadcast_in_dim3A_32 = vector.broadcast %jit3A_29 : f32 to vector<1x32xf32>
    %select_n3A_33 = arith.select %broadcast_in_dim3A_31, %get3A_28, %broadcast_in_dim3A_32 : vector<1x32xi1>, vector<1x32xf32>
    %add3A_34 = arith.addf %add3A_22, %select_n3A_33 : vector<1x32xf32>
    %eq3A_35 = arith.constant 3 : i32
    %eq3A_36 = vector.broadcast %eq3A_35 : i32 to vector<1x1xi32>
    %eq3A_37 = arith.cmpi eq, %get3A_1, %eq3A_36 : vector<1x1xi32>
    %get3A_38 = arith.constant 3 : index
    %get3A_39 = arith.constant 0 : index
    %get3A_40 = vector.load %arg3[%get3A_38, %get3A_39] : memref<7x32xf32, #tpu.memory_space<vmem>>, vector<1x32xf32>
    %jit3A_41 = arith.constant 0.000000e+00 : f32
    %broadcast_in_dim3A_42 = vector.shape_cast %eq3A_37 : vector<1x1xi1> to vector<1x1xi1>
    %broadcast_in_dim3A_43 = vector.broadcast %broadcast_in_dim3A_42 : vector<1x1xi1> to vector<1x32xi1>
    %broadcast_in_dim3A_44 = vector.broadcast %jit3A_41 : f32 to vector<1x32xf32>
    %select_n3A_45 = arith.select %broadcast_in_dim3A_43, %get3A_40, %broadcast_in_dim3A_44 : vector<1x32xi1>, vector<1x32xf32>
    %add3A_46 = arith.addf %add3A_34, %select_n3A_45 : vector<1x32xf32>
    %eq3A_47 = arith.constant 4 : i32
    %eq3A_48 = vector.broadcast %eq3A_47 : i32 to vector<1x1xi32>
    %eq3A_49 = arith.cmpi eq, %get3A_1, %eq3A_48 : vector<1x1xi32>
    %get3A_50 = arith.constant 4 : index
    %get3A_51 = arith.constant 0 : index
    %get3A_52 = vector.load %arg3[%get3A_50, %get3A_51] : memref<7x32xf32, #tpu.memory_space<vmem>>, vector<1x32xf32>
    %jit3A_53 = arith.constant 0.000000e+00 : f32
    %broadcast_in_dim3A_54 = vector.shape_cast %eq3A_49 : vector<1x1xi1> to vector<1x1xi1>
    %broadcast_in_dim3A_55 = vector.broadcast %broadcast_in_dim3A_54 : vector<1x1xi1> to vector<1x32xi1>
    %broadcast_in_dim3A_56 = vector.broadcast %jit3A_53 : f32 to vector<1x32xf32>
    %select_n3A_57 = arith.select %broadcast_in_dim3A_55, %get3A_52, %broadcast_in_dim3A_56 : vector<1x32xi1>, vector<1x32xf32>
    %add3A_58 = arith.addf %add3A_46, %select_n3A_57 : vector<1x32xf32>
    %eq3A_59 = arith.constant 5 : i32
    %eq3A_60 = vector.broadcast %eq3A_59 : i32 to vector<1x1xi32>
    %eq3A_61 = arith.cmpi eq, %get3A_1, %eq3A_60 : vector<1x1xi32>
    %get3A_62 = arith.constant 5 : index
    %get3A_63 = arith.constant 0 : index
    %get3A_64 = vector.load %arg3[%get3A_62, %get3A_63] : memref<7x32xf32, #tpu.memory_space<vmem>>, vector<1x32xf32>
    %jit3A_65 = arith.constant 0.000000e+00 : f32
    %broadcast_in_dim3A_66 = vector.shape_cast %eq3A_61 : vector<1x1xi1> to vector<1x1xi1>
    %broadcast_in_dim3A_67 = vector.broadcast %broadcast_in_dim3A_66 : vector<1x1xi1> to vector<1x32xi1>
    %broadcast_in_dim3A_68 = vector.broadcast %jit3A_65 : f32 to vector<1x32xf32>
    %select_n3A_69 = arith.select %broadcast_in_dim3A_67, %get3A_64, %broadcast_in_dim3A_68 : vector<1x32xi1>, vector<1x32xf32>
    %add3A_70 = arith.addf %add3A_58, %select_n3A_69 : vector<1x32xf32>
    %eq3A_71 = arith.constant 6 : i32
    %eq3A_72 = vector.broadcast %eq3A_71 : i32 to vector<1x1xi32>
    %eq3A_73 = arith.cmpi eq, %get3A_1, %eq3A_72 : vector<1x1xi32>
    %get3A_74 = arith.constant 6 : index
    %get3A_75 = arith.constant 0 : index
    %get3A_76 = vector.load %arg3[%get3A_74, %get3A_75] : memref<7x32xf32, #tpu.memory_space<vmem>>, vector<1x32xf32>
    %jit3A_77 = arith.constant 0.000000e+00 : f32
    %broadcast_in_dim3A_78 = vector.shape_cast %eq3A_73 : vector<1x1xi1> to vector<1x1xi1>
    %broadcast_in_dim3A_79 = vector.broadcast %broadcast_in_dim3A_78 : vector<1x1xi1> to vector<1x32xi1>
    %broadcast_in_dim3A_80 = vector.broadcast %jit3A_77 : f32 to vector<1x32xf32>
    %select_n3A_81 = arith.select %broadcast_in_dim3A_79, %get3A_76, %broadcast_in_dim3A_80 : vector<1x32xi1>, vector<1x32xf32>
    %add3A_82 = arith.addf %add3A_70, %select_n3A_81 : vector<1x32xf32>
    %iota3A = tpu.iota {dimensions = array<i32: 0>} : vector<32x1xi32>
    %lt3A = arith.constant 9 : i32
    %lt3A_83 = vector.broadcast %lt3A : i32 to vector<32x1xi32>
    %lt3A_84 = arith.cmpi slt, %iota3A, %lt3A_83 : vector<32x1xi32>
    %get3A_85 = arith.constant 0 : index
    %get3A_86 = arith.constant 0 : index
    %get3A_87 = vector.load %arg5[%get3A_85, %get3A_86] : memref<2x32xf32, #tpu.memory_space<vmem>>, vector<1x32xf32>
    %get3A_88 = arith.constant 1 : index
    %get3A_89 = arith.constant 0 : index
    %get3A_90 = vector.load %arg5[%get3A_88, %get3A_89] : memref<2x32xf32, #tpu.memory_space<vmem>>, vector<1x32xf32>
    %broadcast_in_dim3A_91 = vector.shape_cast %lt3A_84 : vector<32x1xi1> to vector<32x1xi1>
    %broadcast_in_dim3A_92 = vector.broadcast %broadcast_in_dim3A_91 : vector<32x1xi1> to vector<32x32xi1>
    %broadcast_in_dim3A_93 = vector.shape_cast %get3A_87 : vector<1x32xf32> to vector<1x32xf32>
    %broadcast_in_dim3A_94 = vector.broadcast %broadcast_in_dim3A_93 : vector<1x32xf32> to vector<32x32xf32>
    %broadcast_in_dim3A_95 = vector.shape_cast %get3A_90 : vector<1x32xf32> to vector<1x32xf32>
    %broadcast_in_dim3A_96 = vector.broadcast %broadcast_in_dim3A_95 : vector<1x32xf32> to vector<32x32xf32>
    %select_n3A_97 = arith.select %broadcast_in_dim3A_92, %broadcast_in_dim3A_94, %broadcast_in_dim3A_96 : vector<32x32xi1>, vector<32x32xf32>
    %get3A_98 = arith.constant 0 : index
    %get3A_99 = arith.constant 0 : index
    %get3A_100 = vector.load %arg4[%get3A_98, %get3A_99] : memref<9x32xf32, #tpu.memory_space<vmem>>, vector<9x32xf32>
    %get3A_101 = arith.constant 0 : index
    %get3A_102 = arith.constant 0 : index
    %get3A_103 = vector.load %arg4[%get3A_101, %get3A_102] : memref<9x32xf32, #tpu.memory_space<vmem>>, vector<9x32xf32>
    %broadcast_in_dim3A_104 = arith.constant 0.000000e+00 : f32
    %broadcast_in_dim3A_105 = vector.broadcast %broadcast_in_dim3A_104 : f32 to vector<14x32xf32>
    %concatenate3A = tpu.concatenate %get3A_100, %get3A_103, %broadcast_in_dim3A_105 in 0 : vector<9x32xf32>, vector<9x32xf32>, vector<14x32xf32> -> vector<32x32xf32>
    %broadcast_in_dim3A_106 = vector.shape_cast %add3A_82 : vector<1x32xf32> to vector<1x32xf32>
    %broadcast_in_dim3A_107 = vector.broadcast %broadcast_in_dim3A_106 : vector<1x32xf32> to vector<32x32xf32>
    %concatenate3A_108 = tpu.concatenate %select_n3A_97, %concatenate3A, %broadcast_in_dim3A_107 in 1 : vector<32x32xf32>, vector<32x32xf32>, vector<32x32xf32> -> vector<32x96xf32>
    %get3A_109 = arith.constant 0 : index
    %get3A_110 = arith.constant 0 : index
    %get3A_111 = vector.load %arg1[%get3A_109, %get3A_110] : memref<64x128xi32, #tpu.memory_space<vmem>>, vector<64x128xi32>
    %broadcast_in_dim3A_112 = vector.shape_cast %get3A_111 : vector<64x128xi32> to vector<64x128x1xi32>
    %iota3A_113 = tpu.iota {dimensions = array<i32: 2>} : vector<64x128x32xi32>
    %eq3A_114 = vector.broadcast %broadcast_in_dim3A_112 : vector<64x128x1xi32> to vector<64x128x32xi32>
    %eq3A_115 = arith.cmpi eq, %eq3A_114, %iota3A_113 : vector<64x128x32xi32>
    %convert_element_type3A = arith.extui %eq3A_115 : vector<64x128x32xi1> to vector<64x128x32xi32>
    %convert_element_type3A_116 = arith.sitofp %convert_element_type3A : vector<64x128x32xi32> to vector<64x128x32xf32>
    %reshape3A = vector.shape_cast %convert_element_type3A_116 : vector<64x128x32xf32> to vector<8192x32xf32>
    %dot_general3A = arith.constant dense<0.000000e+00> : vector<8192x96xf32>
    %dot_general3A_117 = tpu.matmul %reshape3A, %concatenate3A_108, %dot_general3A {dimension_numbers = #tpu.dot_dimension_numbers<[1], [0], [0], [1], [0, 0, 1, 1], [], []>, transpose_lhs_hint = false} : vector<8192x32xf32>, vector<32x96xf32>, vector<8192x96xf32> -> vector<8192x96xf32>
    %swap3A = arith.constant 0 : index
    %swap3A_118 = arith.constant 0 : index
    %swap3A_119 = vector.load %arg6[%swap3A, %swap3A_118] : memref<8192x96xf32, #tpu.memory_space<vmem>>, vector<8192x96xf32>
    tpu.vector_store %arg6[%swap3A, %swap3A_118], %dot_general3A_117 {strides = array<i32>} : memref<8192x96xf32, #tpu.memory_space<vmem>>, vector<8192x96xf32>,
    return
  }
  func.func @transform_0(%arg0: i32) -> (i32, i32) {
    %c0_i32 = arith.constant 0 : i32
    %c0_i32_0 = arith.constant 0 : i32
    return %arg0, %c0_i32 : i32, i32
  }
  func.func @transform_1(%arg0: i32) -> (i32, i32) {
    %c0_i32 = arith.constant 0 : i32
    %c0_i32_0 = arith.constant 0 : i32
    %c0_i32_1 = arith.constant 0 : i32
    return %c0_i32, %c0_i32_0 : i32, i32
  }
  func.func @transform_2(%arg0: i32) -> (i32, i32) {
    %c0_i32 = arith.constant 0 : i32
    %c0_i32_0 = arith.constant 0 : i32
    %c0_i32_1 = arith.constant 0 : i32
    return %c0_i32, %c0_i32_0 : i32, i32
  }
  func.func @transform_3(%arg0: i32) -> (i32, i32) {
    %c0_i32 = arith.constant 0 : i32
    %c0_i32_0 = arith.constant 0 : i32
    %c0_i32_1 = arith.constant 0 : i32
    return %c0_i32, %c0_i32_0 : i32, i32
  }
  func.func @transform_4(%arg0: i32) -> (i32, i32) {
    %c0_i32 = arith.constant 0 : i32
    %c0_i32_0 = arith.constant 0 : i32
    %c0_i32_1 = arith.constant 0 : i32
    return %c0_i32, %c0_i32_0 : i32, i32
  }
  func.func @transform_5(%arg0: i32) -> (i32, i32) {
    %c0_i32 = arith.constant 0 : i32
    %c0_i32_0 = arith.constant 0 : i32
    return %arg0, %c0_i32 : i32, i32
  }
}

</mosaic_0001>

<sc_bundles>
// kernel: kernel.4.cloned.1.call-start
scs
__scs_entry_jumppad:
0x0: {  	(pc) =	sbr.rel $0x88, $3  }
0x1: {  	(tag) =	ssettag $0x0;
	lr =	simm.s32 $0x1  }
0x2: {  	[smem:$0x3F9B] =	sst lr;
	_ =	strace $0xD0000000  }
0x3: {  	_ = 	snop  }
0x4: {  	_ = 	snop  }
0x5: {  	_ = 	snop  }
0x6: {  	_ = 	snop  }
0x7: {  	_ = 	snop  }
__scs_overlays_trampoline_lowered:
0x8: {  	[smem:$0x3FAA] =	sst s0  }
0x9: {  	[smem:$0x3FAB] =	sst s1  }
0xa: {  	[smem:$0x3FAC] =	sst s2  }
0xb: {  	[smem:$0x3FAD] =	sst s3  }
0xc: {  	[smem:$0x3FAE] =	sst s4  }
0xd: {  	[smem:$0x3FAF] =	sst s5  }
0xe: {  	[smem:$0x3FB0] =	sst s6  }
0xf: {  	[smem:$0x3FB1] =	sst s7  }
0x10: {  	[smem:$0x3FB2] =	sst s8  }
0x11: {  	[smem:$0x3FB3] =	sst s9;
	s0 =	simm.s32 @!p0 $0x0  }
0x12: {  	s1 =	sld [smem:$0x3F99];
	s0 =	simm.s32 @p0 $0x1  }
0x13: {  	[smem:$0x3FB4] =	sst s0;
	s0 =	simm.s32 @!p1 $0x0  }
0x14: {  	s2 =	sld [smem:$0x3F98];
	s0 =	simm.s32 @p1 $0x1  }
0x15: {  	[smem:$0x3FB5] =	sst s0;
	s0 =	simm.s32 @!p2 $0x0  }
0x16: {  	s3 =	sld [smem:$0x3FDB];
	s0 =	simm.s32 @p2 $0x1  }
0x17: {  	s4 =	simm.s32 $0x1BF5;
	[smem:$0x3FB7] =	sst s0  }
0x18: {  	s0 =	sld [smem:$0x3F9A];
	_ =	swait.ge [sflag:s4], $0x0  }
0x19: {  	s7 =	sld [smem:$0x3F9B]  }
0x1a: {  	s8 =	sadd.s32 $0xFFFFE003, lr  }
0x1b: {  	s9 =	sadd.s32 $0xFFFFFEF7, lr;
	s5 =	simm.s32 $0xFFFFFFFF;
	p2 =	slt.u32 s8, $0xFFFFF086  }
0x1c: {  	p1 =	slt.u32 s9, $0xF7A;
	s5 =	simm.s32 @!p2 $0x0  }
0x1d: {  	s5 =	simm.s32 @p1 $0x1;
	p0 =	seq.s32 s7, s2  }
0x1e: {  	s7 =	smul.u32 @!p0 $0xF7A, s2;
	p2 =	seq.s32 @!p0 s5, $0x0  }
0x1f: {  	s9 =	smul.u32 $0xF7A, s1;
	s8 =	simm.s32 @!p0 $0x1BF5;
	p2 =	por !p2, p0  }
0x20: {  	[sflag:s8] =	ssyncset.s32 @!p0 $0xFFFFF086;
	s6 =	sadd.s32 @!p0 s3, s7;
	s7 =	simm.s32 @!p0 $0x108  }
0x21: {  	s3 =	sadd.s32 s3, s9;
	s6 =	sadd.s32 @!p0 $0x88, s6;
	s7 =	simm.s32 @p2 $0x1082  }
0x22: {  	[simem:s7], [sflag:s8] =	dma.local @!p0 [hbm:s6], $0xF7A  }
0x23: {  	s9 =	sor.u32 $0xD0000000, s2;
	s6 =	simm.s32 $0x108;
	_ =	swait.ge @!p0 [sflag:s8], $0x0  }
0x24: {  	s3 =	sadd.s32 $0x88, s3;
	s6 =	simm.s32 @!p1 $0x1082;
	[sflag:s4] =	ssyncset.s32 $0xFFFFF086  }
0x25: {  	[simem:s6], [sflag:s4] =	dma.local [hbm:s3], $0xF7A  }
0x26: {  	[smem:$0x3F9B] =	sst s1;
	(tag) =	ssettag s2;
	_ =	strace s9  }
0x27: {  	s1 =	sld [smem:$0x3FAB]  }
0x28: {  	s2 =	sld [smem:$0x3FAC]  }
0x29: {  	s4 =	sld [smem:$0x3FAE]  }
0x2a: {  	p0 =	seq.s32 s5, $0x0;
	s5 =	sld [smem:$0x3FAF]  }
0x2b: {  	s6 =	sld [smem:$0x3FB0]  }
0x2c: {  	s7 =	sld [smem:$0x3FB1]  }
0x2d: {  	s3 =	simm.s32 $0x108;
	s8 =	sld [smem:$0x3FB2]  }
0x2e: {  	s3 =	simm.s32 @!p0 $0x1082;
	s9 =	sld [smem:$0x3FB3]  }
0x2f: {  	lr =	sadd.s32 s0, s3;
	s0 =	sld [smem:$0x3FAA]  }
0x30: {  	s3 =	sld [smem:$0x3FAD]  }
0x31: {  	[smem:$0x3FB6] =	sst s10  }
0x32: {  	s10 =	sld [smem:$0x3FB4];
	_ =	sdelay $0x3  }
0x33: {  	p0 =	seq.s32 s10, $0x1;
	s10 =	sld [smem:$0x3FB6];
	_ =	sdelay $0x3  }
0x34: {  	[smem:$0x3FB6] =	sst s10  }
0x35: {  	s10 =	sld [smem:$0x3FB5];
	_ =	sdelay $0x3  }
0x36: {  	p1 =	seq.s32 s10, $0x1;
	s10 =	sld [smem:$0x3FB6];
	_ =	sdelay $0x3  }
0x37: {  	[smem:$0x3FB6] =	sst s10  }
0x38: {  	s10 =	sld [smem:$0x3FB7]  }
0x39: {  	_ = 	snop;
	(pc) =	sbr.ind lr, $3  }
0x3a: {  	_ = 	snop  }
0x3b: {  	_ = 	snop  }
0x3c: {  	p2 =	seq.s32 s10, $0x1;
	s10 =	sld [smem:$0x3FB6]  }
0x3d: {  	_ =	shalt  }
0x3e: {  	_ =	shalt  }
0x3f: {  	_ =	shalt  }
0x40: {  	_ =	shalt  }
0x41: {  	_ =	shalt  }
0x42: {  	_ =	shalt  }
0x43: {  	_ =	shalt  }
0x44: {  	_ =	shalt  }
0x45: {  	_ =	shalt  }
0x46: {  	_ =	shalt  }
0x47: {  	_ =	shalt  }
0x48: {  	_ =	shalt  }
0x49: {  	_ =	shalt  }
0x4a: {  	_ =	shalt  }
0x4b: {  	_ =	shalt  }
0x4c: {  	_ =	shalt  }
0x4d: {  	_ =	shalt  }
0x4e: {  	_ =	shalt  }
0x4f: {  	_ =	shalt  }
0x50: {  	_ =	shalt  }
0x51: {  	_ =	shalt  }
0x52: {  	_ =	shalt  }
0x53: {  	_ =	shalt  }
0x54: {  	_ =	shalt  }
0x55: {  	_ =	shalt  }
0x56: {  	_ =	shalt  }
0x57: {  	_ =	shalt  }
0x58: {  	_ =	shalt  }
0x59: {  	_ =	shalt  }
0x5a: {  	_ =	shalt  }
0x5b: {  	_ =	shalt  }
0x5c: {  	_ =	shalt  }
0x5d: {  	_ =	shalt  }
0x5e: {  	_ =	shalt  }
0x5f: {  	_ =	shalt  }
0x60: {  	_ =	shalt  }
0x61: {  	_ =	shalt  }
0x62: {  	_ =	shalt  }
0x63: {  	_ =	shalt  }
0x64: {  	_ =	shalt  }
0x65: {  	_ =	shalt  }
0x66: {  	_ =	shalt  }
0x67: {  	_ =	shalt  }
0x68: {  	_ =	shalt  }
0x69: {  	_ =	shalt  }
0x6a: {  	_ =	shalt  }
0x6b: {  	_ =	shalt  }
0x6c: {  	_ =	shalt  }
0x6d: {  	_ =	shalt  }
0x6e: {  	_ =	shalt  }
0x6f: {  	_ =	shalt  }
0x70: {  	_ =	shalt  }
0x71: {  	_ =	shalt  }
0x72: {  	_ =	shalt  }
0x73: {  	_ =	shalt  }
0x74: {  	_ =	shalt  }
0x75: {  	_ =	shalt  }
0x76: {  	_ =	shalt  }
0x77: {  	_ =	shalt  }
0x78: {  	_ =	shalt  }
0x79: {  	_ =	shalt  }
0x7a: {  	_ =	shalt  }
0x7b: {  	_ =	shalt  }
0x7c: {  	_ =	shalt  }
0x7d: {  	_ =	shalt  }
0x7e: {  	_ =	shalt  }
0x7f: {  	_ =	shalt  }
0x80: {  	_ =	shalt  }
0x81: {  	_ =	shalt  }
0x82: {  	_ =	shalt  }
0x83: {  	_ =	shalt  }
0x84: {  	_ =	shalt  }
0x85: {  	_ =	shalt  }
0x86: {  	_ =	shalt  }
0x87: {  	_ =	shalt  }
.Lfunc_end0:
.L_simem_size_0:
called_computation.1_lowered:
.L_overlay_start_0:
0x88: {  	s2 =	sld [smem:$0x3FD9]  }
0x89: {  	s3 =	sld [smem:$0x3FFE];
	_ =	sdelay $0x1  }
0x8a: {  	s1 =	srdreg.scid  }
0x8b: {  	s0 =	sand.u32 $0x1, s1  }
0x8c: {  	s17 =	sshll.u32 s0, $0xA;
	s2 =	sadd.s32 s3, s2  }
0x8d: {  	s2 =	sadd.s32 s2, s17  }
0x8e: {  	[smem:$0x3FC2] =	sst s2  }
0x8f: {  	_ = 	snop  }
0x90: {  	s2 =	sld [smem:$0x3FC8]  }
0x91: {  	s18 =	sld [smem:$0x3FD0];
	(tm) =	ssettm $0x1  }
0x92: {  	s4 =	sld [smem:$0x3FFB];
	_ =	sdelay $0x3  }
0x93: {  	_ =	strace s4  }
0x94: {  	s4 =	sld [smem:$0x3FFC];
	_ =	sdelay $0x3  }
0x95: {  	_ =	strace s4  }
0x96: {  	s4 =	sld [smem:$0x3FFD];
	_ =	sdelay $0x3  }
0x97: {  	_ =	strace s4  }
0x98: {  	_ =	strace $0x8FFFFFFF  }
0x99: {  	s19 =	sld [smem:$0x3FDB];
	_ =	sdelay $0x1  }
0x9a: {  	s5 =	simm.s32 $_scs_section_size  }
0x9b: {  	s6 =	simm.s32 $_size__tile_overlayer_lowered;
	s7 =	simm.s32 $_tile_overlayer_lowered  }
0x9c: {  	s22 =	simm.s32 $0x1BFF;
	s21 =	sshll.u32 s7, $0x1;
	s4 =	sadd.s32 s5, s19  }
0x9d: {  	s8 =	simm.s32 $0x0;
	s20 =	sshll.u32 s6, $0x1;
	s6 =	sadd.s32 s21, s4  }
0x9e: {  	[timem:s8], [sflag:s22] =	dma.local [hbm:s6], s20  }
0x9f: {  	_ =	swait.ge [sflag:s22], s20  }
0xa0: {  	s5 =	ssub.s32 $0x0, s20;
	[sflag:s22] =	ssyncset.done $0x0  }
0xa1: {  	[sflag:s22] =	ssyncadd.s32 s5;
	_ =	sdelay $0x1  }
0xa2: {  	s23 =	simm.s32 $0x1B8B  }
0xa3: {  	_ =	swait.ge [sflag:s23], $0x1  }
0xa4: {  	[sflag:s23] =	ssyncset.done $0x0  }
0xa5: {  	s25 =	simm.s32 $0x1B8E;
	s24 =	sld [smem:$0x3FFE];
	[sflag:s23] =	ssyncadd.s32 $0xFFFFFFFF  }
0xa6: {  	s26 =	simm.s32 $execute0_lowered;
	[smem:$0x3FD2] =	sst s25  }
0xa7: {  	s6 =	sshll.u32 s26, $0x1;
	_ =	strace $0x80000046;
	[dreg:$0x1] =	wrdreg $0xFFFFFFFF  }
0xa8: {  	s28 =	simm.s32 $_size_execute0_lowered;
	s4 =	sadd.s32 s4, s6;
	[dreg:$0x0] =	wrdreg $0x0  }
0xa9: {  	s6 =	sshll.u32 s28, $0x1;
	[dreg:$0x2] =	wrdreg s4  }
0xaa: {  	[dreg:$0x3] =	wrdreg s6  }
0xab: {  	[dreg:$0x4] =	wrdreg $0xC0  }
0xac: {  	_ =	task [dreg:s8], $0x5FFFF  }
0xad: {  	[dreg:$0x1] =	wrdreg $0xFFFFFFFF  }
0xae: {  	[dreg:$0x0] =	wrdreg $0x60  }
0xaf: {  	[dreg:$0x2] =	wrdreg s18  }
0xb0: {  	[dreg:$0x3] =	wrdreg s2  }
0xb1: {  	[dreg:$0x4] =	wrdreg s24  }
0xb2: {  	[dreg:$0x5] =	wrdreg $0x9  }
0xb3: {  	_ =	task.clear_ibuf [dreg:s8], $0x6FFFF;
	_ =	strace $0x90000046  }
0xb4: {  	s29 =	simm.s32 $0x9;
	_ =	strace $0x80000048  }
0xb5: {  	_ =	swait.ge [sflag:s29], $0x1  }
0xb6: {  	[sflag:s29] =	ssyncadd.s32 $0xFFFFFFFF  }
0xb7: {  	_ =	strace $0x90000048  }
0xb8: {  	_ =	sfence  }
0xb9: {  	s30 =	sld [smem:$0x0];
	_ =	sdelay $0x2  }
0xba: {  	s31 =	sshll.u32 s1, $0xD;
	s1 =	sshrl.u32 s1, $0x2  }
0xbb: {  	s3 =	sand.u32 $0x4000, s31;
	s1 =	sadd.s32 s1, s30  }
0xbc: {  	s0 =	sor.u32 s3, s0;
	s1 =	sshll.u32 s1, $0x11  }
0xbd: {  	s0 =	sor.u32 s1, s0  }
0xbe: {  	s0 =	sadd.s32 $0x8F2B, s0  }
0xbf: {  	[sflag:s0] =	ssyncadd.remote.s32 $0x1  }
0xc0: {  	_ =	sfence.sel $0xFFFF  }
0xc1: {  	[dreg:$0x0] =	wrdreg $0xFFFFFFFF;
	(pc) =	sbr.abs _section_cstart, $3  }
0xc2: {  	[dreg:$0x1] =	wrdreg $0xFFFFFFFF  }
0xc3: {  	_ =	task.clear_ibuf [dreg:s8], $0x2FFFF;
	_ =	strace $0x9FFFFFFF  }
0xc4: {  	(tm) =	ssettm $0x7FFFFFFF  }
0xc5: {  	_ =	shalt  }
tec
execute0_lowered:
.L_overlay_start_1:
0x0: {  	(tag) =	ssettag $0x1  }
0x1: {  	s5 =	rddreg [dreg:$0x0]  }
0x2: {  	s2 =	rddreg [dreg:$0x1]  }
0x3: {  	s6 =	rddreg [dreg:$0x2];
	s3 =	srdreg.scid  }
0x4: {  	s0 =	rddreg [dreg:$0x3];
	s1 =	stileid.u32;
	s10 =	simm.s32 $0x6000  }
0x5: {  	s11 =	simm.s32 $0x0;
	s7 =	sand.u32 $0x1, s3;
	s3 =	simm.s32 $0x0  }
0x6: {  	s4 =	sshll.u32 s1, $0xF;
	s8 =	sshll.u32 s7, $0xE;
	s7 =	ssub.s32 $0x2, s7  }
0x7: {  	[smem:$0x7FF] =	sst s3;
	s4 =	sor.u32 s8, s4;
	s9 =	sshrl.u32 s7, $0x1  }
0x8: {  	_ =	strace $0x80000047;
	s8 =	sshrl.u32 s4, $0x3;
	s7 =	ssub.s32 s7, s9  }
0x9: {  	s9 =	simm.s32 $0x2000;
	s6 =	sadd.s32 s8, s6;
	s5 =	sadd.s32 s5, s8  }
0xa: {  	v0 =	vimm.s32 $0x0;
	s7 =	smax.u32 s7, $0x1;
	s8 =	simm.s32 $0x1;
	s6 =	sadd.s32 $0x1000, s6  }
.LBB2_1:
0xb: {  	[tilespmem:s3], [sflag:$0x1] =	stream.linear.gather [hbm4b:s2+s3], $0x2000, $0x38;
	[tilespmem:$0xA000] =	vst v63  }
0xc: {  	_ =	swait.ge [sflag:s8], $0x2000  }
0xd: {  	[sflag:s8] =	ssyncset.done $0x0  }
0xe: {  	[sflag:s8] =	ssyncadd.s32 $0xFFFFE000  }
0xf: {  	[tilespmem:s9], [sflag:$0x1] =	stream.linear.gather [hbm4b:s5+s3], $0x4000, $0x38;
	[tilespmem:$0xA000] =	vst v63  }
0x10: {  	_ =	swait.ge [sflag:s8], $0x4000  }
0x11: {  	[sflag:s8] =	ssyncset.done $0x0  }
0x12: {  	s12 =	simm.s32 $0x0;
	v1 =	vmov s4;
	[sflag:s8] =	ssyncadd.s32 $0xFFFFC000  }
0x13: {  	v1 =	vshrl.u32 v1, $0x6;
	v4 =	vld [tilespmem:s12+$0x2000]  }
0x14: {  	v1 =	vbroadcast v1, $0x0;
	_ =	sdelay $0x4  }
0x15: {  	v2 =	vsub.s32 v1, v4  }
0x16: {  	v1 =	vld.idx.msk [tilespmem:v1+s3+$0x0], $0xffff;
	vm0 =	vgt.s32 v2, $0x1  }
0x17: {  	s14 =	sadd.s32 $0x10, s4;
	v3 =	vnsel vm0, $0x1, v2;
	v4 =	vld.idx.msk [tilespmem:v4+s3+$0x0], $0xffff  }
0x18: {  	s13 =	simm.s32 $0x10;
	s15 =	simm.s32 $0x80;
	v6 =	vmov s14;
	v5 =	vcvt.s32.f32 v3  }
.LBB2_2:
0x19: {  	p0 =	sne.s32 s15, $0xFFC0;
	v7 =	vld [tilespmem:s13+$0x2000];
	v6 =	vshrl.u32 v6, $0x6  }
0x1a: {  	v6 =	vbroadcast v6, $0x0;
	v5 =	vshrl.u32 v5, $0x17  }
0x1b: {  	vm0 =	vlt.s32 v2, $0x5;
	v2 =	vmin.u32 v5, $0x85  }
0x1c: {  	vm1 =	veq.s32 v4, v1;
	v1 =	vadd.s32 $0xFFFFFFFF, v3;
	v2 =	vadd.s32 $0xFFFFFF83, v2  }
0x1d: {  	v1 =	vsel vm0, v1, v2;
	v2 =	vsel vm1, $0x9, v0  }
0x1e: {  	v1 =	vadd.s32 v2, v1  }
.Ltmp0:
0x1f: {  	[tilespmem:s12+$0x6000] =	vst v1;
	s12 =	smov.u32 s13;
	(pc) =	sbr.rel @p0 .LBB2_2-.Ltmp0, $4  }
0x20: {  	v2 =	vsub.s32 v6, v7;
	v1 =	vld.idx.msk [tilespmem:v6+s3+$0x0], $0xffff  }
0x21: {  	vm0 =	vgt.s32 v2, $0x1;
	v4 =	vld.idx.msk [tilespmem:v7+s3+$0x0], $0xffff  }
0x22: {  	s14 =	sadd.s32 $0x10, s14;
	v3 =	vnsel vm0, $0x1, v2  }
0x23: {  	s13 =	sshra.s32 s15, $0x2;
	s15 =	sadd.s32 $0x40, s15;
	v6 =	vmov s14;
	v5 =	vcvt.s32.f32 v3  }
0x24: {  	v7 =	vld [tilespmem:s13+$0x2000];
	v6 =	vshrl.u32 v6, $0x6  }
0x25: {  	v6 =	vbroadcast v6, $0x0;
	v5 =	vshrl.u32 v5, $0x17  }
0x26: {  	vm0 =	vlt.s32 v2, $0x5;
	v2 =	vmin.u32 v5, $0x85  }
0x27: {  	vm1 =	veq.s32 v4, v1;
	v1 =	vadd.s32 $0xFFFFFFFF, v3;
	v2 =	vadd.s32 $0xFFFFFF83, v2  }
0x28: {  	v1 =	vsel vm0, v1, v2;
	v2 =	vsel vm1, $0x9, v0  }
0x29: {  	v1 =	vadd.s32 v2, v1  }
0x2a: {  	[tilespmem:s12+$0x6000] =	vst v1;
	v1 =	vsub.s32 v6, v7  }
0x2b: {  	v2 =	vld.idx.msk [tilespmem:v6+s3+$0x0], $0xffff;
	vm13 =	vgt.s32 v1, $0x1  }
0x2c: {  	v3 =	vld.idx.msk [tilespmem:v7+s3+$0x0], $0xffff;
	v62 =	vnsel vm13, $0x1, v1  }
0x2d: {  	v63 =	vcvt.s32.f32 v62;
	_ =	sdelay $0x1  }
0x2e: {  	v5 =	vshrl.u32 v63, $0x17  }
0x2f: {  	vm14 =	vlt.s32 v1, $0x5;
	v1 =	vmin.u32 v5, $0x85  }
0x30: {  	vm15 =	veq.s32 v3, v2;
	v2 =	vadd.s32 $0xFFFFFFFF, v62;
	v1 =	vadd.s32 $0xFFFFFF83, v1  }
0x31: {  	s11 =	sadd.s32 $0x1, s11;
	v1 =	vsel vm14, v2, v1;
	v2 =	vsel vm15, $0x9, v0  }
0x32: {  	p0 =	sne.s32 s11, s7;
	v1 =	vadd.s32 v2, v1  }
.Ltmp1:
0x33: {  	[tilespmem:s13+$0x6000] =	vst v1;
	(pc) =	sbr.rel @p0 .LBB2_1-.Ltmp1, $4  }
0x34: {  	[hbm4b:s6+s3] =	stream.linear.scatter [tilespmem:s10], [sflag:$0x1], $0x4000, $0x38;
	[tilespmem:$0xA000] =	vst v63  }
0x35: {  	_ =	swait.ge [sflag:s8], $0x4000  }
0x36: {  	[sflag:s8] =	ssyncset.done $0x0  }
0x37: {  	[sflag:s8] =	ssyncadd.s32 $0xFFFFC000  }
0x38: {  	_ =	sfence.sel $0x180000  }
0x39: {  	[bflag:$0x0] =	sbarrier.arrive $0xFFFF  }
0x3a: {  	p0 =	sne.s32 s1, $0x0;
	_ =	strace $0x90000047  }
0x3b: {  	s0 =	sadd.s32 @!p0 $0x100000, s0;
	[bflag:$0x2] =	sbarrier.arrive $0xFFFF  }
0x3c: {  	[sflag:s0] =	ssyncadd.tile.s32 @!p0 $0x1;
	_ =	shalt  }
.Lfunc_end2:
_tile_overlayer_lowered:
.L_overlay_start_2:
0x3d: {  	(tag) =	ssettag $0x2  }
0x3e: {  	s0 =	rddreg [dreg:$0x0];
	s2 =	stileid.u32  }
0x3f: {  	s1 =	rddreg [dreg:$0x1];
	p0 =	sne.s32 s2, $0x0  }
0x40: {  	s3 =	rddreg [dreg:$0x2];
	[bflag:$0x3] =	sbarrier.arrive $0xFFFF;
	s2 =	simm.s32 @!p0 $0x1C01  }
0x41: {  	[timem:s3], [sflag:s2] =	dma.local @!p0 [hbm:s0], s1  }
0x42: {  	s0 =	simm.s32 @!p0 $0x1  }
0x43: {  	_ =	swait.ge @!p0 [sflag:s0], s1  }
0x44: {  	s1 =	ssub.s32 @!p0 $0x0, s1;
	[sflag:s0] =	ssyncset.done @!p0 $0x0  }
0x45: {  	[sflag:s0] =	ssyncadd.s32 @!p0 s1  }
0x46: {  	[bflag:$0x3] =	sbarrier.arrive $0xFFFF  }
0x47: {  	_ =	shalt  }

// kernel: sparse-core-data-format-call.cloned.1.call-start
scs
called_computation_lowered:
.L_overlay_start_0:
0x0: {  	s2 =	sld [smem:$0x3FD9]  }
0x1: {  	s3 =	sld [smem:$0x3FFE];
	_ =	sdelay $0x1  }
0x2: {  	s1 =	srdreg.scid  }
0x3: {  	s0 =	sand.u32 $0x1, s1  }
0x4: {  	s18 =	sshll.u32 s0, $0xA;
	s2 =	sadd.s32 s3, s2  }
0x5: {  	s2 =	sadd.s32 s2, s18  }
0x6: {  	[smem:$0x3FC2] =	sst s2  }
0x7: {  	_ = 	snop  }
0x8: {  	s2 =	sld [smem:$0x3FD0];
	(tm) =	ssettm $0x1  }
0x9: {  	s19 =	sld [smem:$0x3FFB];
	_ =	sdelay $0x3  }
0xa: {  	_ =	strace s19  }
0xb: {  	s3 =	sld [smem:$0x3FFC];
	_ =	sdelay $0x3  }
0xc: {  	_ =	strace s3  }
0xd: {  	s3 =	sld [smem:$0x3FFD];
	_ =	sdelay $0x3  }
0xe: {  	_ =	strace s3  }
0xf: {  	_ =	strace $0x8FFFFFFF  }
0x10: {  	s20 =	sld [smem:$0x3FDB];
	_ =	sdelay $0x1  }
0x11: {  	s4 =	simm.s32 $_scs_section_size  }
0x12: {  	s5 =	simm.s32 $_size__tile_overlayer_lowered;
	s6 =	simm.s32 $_tile_overlayer_lowered  }
0x13: {  	s23 =	simm.s32 $0x1BFF;
	s22 =	sshll.u32 s6, $0x1;
	s3 =	sadd.s32 s4, s20  }
0x14: {  	s7 =	simm.s32 $0x0;
	s21 =	sshll.u32 s5, $0x1;
	s5 =	sadd.s32 s22, s3  }
0x15: {  	[timem:s7], [sflag:s23] =	dma.local [hbm:s5], s21  }
0x16: {  	_ =	swait.ge [sflag:s23], s21  }
0x17: {  	s4 =	ssub.s32 $0x0, s21;
	[sflag:s23] =	ssyncset.done $0x0  }
0x18: {  	[sflag:s23] =	ssyncadd.s32 s4;
	_ =	sdelay $0x1  }
0x19: {  	s24 =	simm.s32 $0x1B8B  }
0x1a: {  	_ =	swait.ge [sflag:s24], $0x1  }
0x1b: {  	[sflag:s24] =	ssyncset.done $0x0  }
0x1c: {  	s26 =	simm.s32 $0x1B8E;
	s25 =	sld [smem:$0x3FFE];
	[sflag:s24] =	ssyncadd.s32 $0xFFFFFFFF  }
0x1d: {  	s27 =	simm.s32 $execute0_lowered;
	[smem:$0x3FD2] =	sst s26  }
0x1e: {  	s5 =	sshll.u32 s27, $0x1;
	_ =	strace $0x80000049;
	[dreg:$0x1] =	wrdreg $0xFFFFFFFF  }
0x1f: {  	s28 =	simm.s32 $_size_execute0_lowered;
	s3 =	sadd.s32 s3, s5;
	[dreg:$0x0] =	wrdreg $0x0  }
0x20: {  	s5 =	sshll.u32 s28, $0x1;
	[dreg:$0x2] =	wrdreg s3  }
0x21: {  	[dreg:$0x3] =	wrdreg s5  }
0x22: {  	[dreg:$0x4] =	wrdreg $0xC0  }
0x23: {  	_ =	task [dreg:s7], $0x5FFFF  }
0x24: {  	[dreg:$0x1] =	wrdreg $0xFFFFFFFF  }
0x25: {  	[dreg:$0x0] =	wrdreg $0x60  }
0x26: {  	[dreg:$0x2] =	wrdreg s25  }
0x27: {  	[dreg:$0x3] =	wrdreg s2  }
0x28: {  	[dreg:$0x4] =	wrdreg $0x9  }
0x29: {  	_ =	task.clear_ibuf [dreg:s7], $0x5FFFF;
	_ =	strace $0x90000049  }
0x2a: {  	s29 =	simm.s32 $0x9;
	_ =	strace $0x8000004B  }
0x2b: {  	_ =	swait.ge [sflag:s29], $0x1  }
0x2c: {  	[sflag:s29] =	ssyncadd.s32 $0xFFFFFFFF  }
0x2d: {  	_ =	strace $0x9000004B  }
0x2e: {  	_ =	sfence  }
0x2f: {  	s30 =	sld [smem:$0x0];
	_ =	sdelay $0x2  }
0x30: {  	s31 =	sshll.u32 s1, $0xD;
	s1 =	sshrl.u32 s1, $0x2  }
0x31: {  	s3 =	sand.u32 $0x4000, s31;
	s1 =	sadd.s32 s1, s30  }
0x32: {  	s0 =	sor.u32 s3, s0;
	s1 =	sshll.u32 s1, $0x11  }
0x33: {  	s0 =	sor.u32 s1, s0  }
0x34: {  	s0 =	sadd.s32 $0x8F2B, s0  }
0x35: {  	[sflag:s0] =	ssyncadd.remote.s32 $0x1  }
0x36: {  	_ =	sfence.sel $0xFFFF  }
0x37: {  	[dreg:$0x0] =	wrdreg $0xFFFFFFFF;
	(pc) =	sbr.abs _section_cstart, $3  }
0x38: {  	[dreg:$0x1] =	wrdreg $0xFFFFFFFF  }
0x39: {  	_ =	task.clear_ibuf [dreg:s7], $0x2FFFF;
	_ =	strace $0x9FFFFFFF  }
0x3a: {  	(tm) =	ssettm $0x7FFFFFFF  }
0x3b: {  	_ =	shalt  }
tec
execute0_lowered:
.L_overlay_start_1:
0x0: {  	(tag) =	ssettag $0x1  }
0x1: {  	s0 =	srdreg.scid;
	s5 =	rddreg [dreg:$0x0]  }
0x2: {  	s3 =	rddreg [dreg:$0x1];
	s1 =	sshll.u32 s0, $0x4  }
0x3: {  	s7 =	simm.s32 $0x1;
	s0 =	stileid.u32;
	s1 =	sand.u32 $0x10, s1  }
0x4: {  	s8 =	simm.s32 $0x2;
	s15 =	simm.s32 $0x0;
	s1 =	sor.u32 s0, s1  }
0x5: {  	s14 =	simm.s32 $0x0;
	s9 =	simm.s32 $0x0;
	s2 =	sshll.u32 s1, $0x7  }
0x6: {  	s10 =	simm.s32 $0x0;
	s11 =	simm.s32 $0x0;
	s6 =	ssub.s32 $0x2000, s2  }
0x7: {  	s13 =	simm.s32 $0x0;
	s5 =	sadd.s32 $0x11200, s5;
	s4 =	sand.u32 $0xF80, s6  }
.Ltmp0:
0x8: {  	s1 =	rddreg [dreg:$0x2];
	p0 =	sne.s32 s4, $0x0;
	(pc) =	sbr.rel .LBB1_1-.Ltmp0, $4  }
0x9: {  	_ =	strace $0x8000004A;
	s6 =	sshrl.u32 s6, $0xC;
	s7 =	simm.s32 @!p0 $0x0  }
0xa: {  	s12 =	smov.u32 s2;
	s4 =	simm.s32 $0x1;
	s6 =	sadd.s32 s7, s6  }
0xb: {  	[sflag:s4] =	ssyncpa.u1 $0x0;
	p0 =	por $0x0, $0x0;
	s6 =	sshll.u32 s6, $0x6  }
0xc: {  	[sflag:s8] =	ssyncpa.u1 $0x0;
	s8 =	simm.s32 $0x10000;
	s7 =	sor.u32 $0x1, s6  }
.LBB1_4:
0xd: {  	s20 =	sshra.s32 s20, $0x2;
	s28 =	sshll.u32 s10, $0x3;
	p1 =	sgt.s32 s9, $0x3F  }
0xe: {  	s21 =	smov.u32 s9;
	s23 =	sshra.s32 s9, $0x1F;
	s24 =	smov.u32 s10  }
0xf: {  	v5 =	vld [tilespmem:s17+$0xFFFFFFD0];
	[tilespmem:s18+$0x2040 ss:$0x81] =	vst.msk $0xffff, v4;
	s25 =	sshra.s32 s10, $0x1F;
	s26 =	sand.u32 $0x78, s10;
	s19 =	sadd.s32 s20, s19  }
0x10: {  	v58 =	vld [tilespmem:s17+$0xFFFFFFE0];
	[tilespmem:s18+$0x2850 ss:$0x81] =	vst.msk $0xffff, v3;
	s22 =	sshrl.u32 s28, $0xD;
	s21 =	simm.s32 @!p1 $0x3F;
	s23 =	sand.u32 s23, s9  }
0x11: {  	v59 =	vld [tilespmem:s17+$0xFFFFFFF0];
	[tilespmem:s18+$0x3060 ss:$0x81] =	vst.msk $0xffff, v2;
	p1 =	sgt.s32 s10, $0x1F80;
	s29 =	sand.u32 s25, s10;
	s20 =	sand.u32 $0x1C00, s28  }
0x12: {  	v60 =	vld [tilespmem:s17+$0x0];
	[tilespmem:s18+$0x0 ss:$0x81] =	vst.msk $0xffff, v0;
	s28 =	smul.u32 $0x18000, s9;
	s21 =	ssub.s32 s21, s23;
	s24 =	simm.s32 @!p1 $0x1F80  }
0x13: {  	v61 =	vld [tilespmem:s17+$0x10];
	s30 =	smulhi.u32 $0x2AAAAAB, s22;
	[tilespmem:s19+$0x3870 ss:$0x81] =	vst.msk $0xffff, v1;
	s20 =	sor.u32 s26, s20;
	s31 =	ssub.s32 $0x40, s21  }
0x14: {  	v62 =	vld [tilespmem:s17+$0x20];
	s23 =	ssub.s32 s24, s29;
	s21 =	sadd.s32 $0xFFFFFFC1, s21;
	s25 =	smul.u32 $0x60, s31;
	[tilespmem:s19+$0x810 ss:$0x81] =	vst.msk $0xffff, v5  }
0x15: {  	v63 =	vld [tilespmem:s17+$0xFFFFFFC0];
	s18 =	smul.u32 $0x60, s30;
	p1 =	sgt.s32 s21, $0x0;
	s27 =	sadd.s32 $0xFFFFE080, s23;
	[tilespmem:s19+$0x1020 ss:$0x81] =	vst.msk $0xffff, v58  }
0x16: {  	s17 =	ssub.s32 $0x2000, s23;
	[tilespmem:s19+$0x1830 ss:$0x81] =	vst.msk $0xffff, v59;
	s25 =	simm.s32 @p1 $0x0;
	p1 =	sgt.s32 s27, $0x7F  }
0x17: {  	s29 =	sand.u32 $0x7, s10;
	[tilespmem:s19+$0x2040 ss:$0x81] =	vst.msk $0xffff, v60;
	s18 =	ssub.s32 s22, s18;
	s17 =	simm.s32 @p1 $0x0  }
0x18: {  	s21 =	sadd.s32 s3, s28;
	[tilespmem:s19+$0x2850 ss:$0x81] =	vst.msk $0xffff, v61;
	s18 =	sshll.u32 s18, $0xA;
	s17 =	smul.u32 s17, s25  }
0x19: {  	s20 =	sshrl.u32 s20, $0x3;
	s30 =	sshll.u32 s29, $0x12;
	[tilespmem:s19+$0x3060 ss:$0x81] =	vst.msk $0xffff, v62;
	s18 =	sadd.s32 s18, s21  }
0x1a: {  	[tilespmem:s19+$0x0 ss:$0x81] =	vst.msk $0xffff, v63;
	s31 =	sor.u32 $0x400, s30;
	s18 =	sadd.s32 s20, s18;
	s17 =	sand.u32 $0x3FFFFFE0, s17  }
0x1b: {  	[hbm4b:s18+s31] =	stream.strided.scatter [tilespmem:s16], [sflag:$0x2], s17, s8, s31, $0x20;
	[tilespmem:$0x10100] =	vst v63  }
.LBB1_5:
0x1c: {  	p1 =	slt.u32 s13, $0x2  }
0x1d: {  	s17 =	smov.u32 s15;
	p2 =	sgt.s32 @!p1 s15, $0x3F;
	s16 =	sshra.s32 @!p1 s15, $0x1F  }
0x1e: {  	p3 =	sgt.s32 @!p1 s14, $0x1F80;
	s18 =	sshra.s32 @!p1 s14, $0x1F;
	p2 =	por !p2, p1  }
0x1f: {  	s15 =	sand.u32 @!p1 s16, s15;
	p3 =	por !p3, p1;
	s16 =	smov.u32 s14  }
0x20: {  	s14 =	sand.u32 @!p1 s18, s14;
	s17 =	simm.s32 @p2 $0x3F;
	s16 =	simm.s32 @p3 $0x1F80  }
0x21: {  	s18 =	smov.u32 s12;
	s15 =	ssub.s32 @!p1 s17, s15;
	s14 =	ssub.s32 @!p1 s16, s14  }
0x22: {  	s16 =	sadd.s32 @!p1 $0xFFFFFFC1, s15;
	s15 =	ssub.s32 @!p1 $0x40, s15;
	s17 =	sadd.s32 @!p1 $0xFFFFE080, s14  }
0x23: {  	p2 =	sgt.s32 @!p1 s16, $0x0;
	s15 =	smul.u32 @!p1 $0x60, s15;
	p3 =	sgt.s32 @!p1 s17, $0x7F  }
0x24: {  	s14 =	ssub.s32 @!p1 $0x2000, s14;
	p2 =	por !p2, p1;
	p3 =	por !p3, p1  }
0x25: {  	s16 =	sadd.s32 $0x1, s11;
	s15 =	simm.s32 @!p2 $0x0;
	s14 =	simm.s32 @!p3 $0x0  }
0x26: {  	p2 =	sgt.s32 s16, $0x3F;
	s14 =	smul.u32 @!p1 s14, s15;
	s15 =	sadd.s32 $0x1000, s12  }
0x27: {  	s18 =	smov.u32 @p2 s15  }
0x28: {  	s16 =	simm.s32 @p2 $0x0;
	p2 =	sgt.s32 s18, $0x1FFF  }
0x29: {  	s18 =	smov.u32 @p2 s2;
	p2 =	sne.s32 s13, s7  }
.Ltmp1:
0x2a: {  	p0 =	por !p0, !p0;
	s17 =	simm.s32 @!p1 $0x2;
	(pc) =	sbr.rel @!p2 .LBB1_6-.Ltmp1, $4  }
0x2b: {  	s15 =	smov.u32 s9;
	s9 =	smov.u32 s11;
	s14 =	sand.u32 @!p1 $0x3FFFFFE0, s14  }
0x2c: {  	s11 =	smov.u32 s16;
	_ =	swait.ge @!p1 [sflag:s17], s14;
	s19 =	ssub.s32 @!p1 $0x0, s14  }
0x2d: {  	s14 =	smov.u32 s10;
	s13 =	sadd.s32 $0x1, s13;
	[sflag:s17] =	ssyncset.done @!p1 $0x0  }
0x2e: {  	s10 =	smov.u32 s12;
	s12 =	smov.u32 s18;
	[sflag:s17] =	ssyncadd.s32 @!p1 s19  }
.LBB1_1:
0x2f: {  	p1 =	sge.u32 s13, s6  }
0x30: {  	s31 =	sadd.s32 $0xFFFFFFFF, s13;
	s16 =	sxor.u32 @!p1 $0xFFFFFFFF, s13  }
0x31: {  	s17 =	sshll.u32 @!p1 s12, $0xA;
	s18 =	sshll.u32 @!p1 s11, $0x4;
	s19 =	simm.s32 @!p1 $0x2000  }
0x32: {  	s16 =	sshll.u32 @!p1 s16, $0xE;
	s18 =	sand.u32 @!p1 $0x3F0, s18;
	s17 =	sadd.s32 @!p1 s5, s17  }
0x33: {  	s16 =	sand.u32 @!p1 $0x4000, s16;
	s17 =	sadd.s32 @!p1 s18, s17;
	s18 =	simm.s32 @!p1 $0x80  }
0x34: {  	[tilespmem:s16], [sflag:$0x1] =	stream.strided.gather @!p1 [hbm4b:s17+s18], $0x4000, s19, s18, $0x38;
	[tilespmem:$0x10100] =	vst v63  }
0x35: {  	p1 =	sge.u32 s31, s6  }
.Ltmp2:
0x36: {  	_ = 	snop;
	(pc) =	sbr.rel @p1 .LBB1_5-.Ltmp2, $1  }
0x37: {  	_ =	sdelay $0x3  }
0x38: {  	s16 =	simm.s32 $0x1  }
0x39: {  	_ =	swait.ge [sflag:s4], $0x4000;
	s16 =	simm.s32 @!p0 $0x0  }
0x3a: {  	[sflag:s4] =	ssyncset.done $0x0;
	s17 =	sshll.u32 s16, $0xE  }
0x3b: {  	[sflag:s4] =	ssyncadd.s32 $0xFFFFC000;
	s17 =	sor.u32 $0x40, s17  }
0x3c: {  	s16 =	smul.u32 $0x10200, s16;
	v0 =	vld [tilespmem:s17+$0x30]  }
0x3d: {  	v1 =	vld [tilespmem:s17+$0xFFFFFFD0]  }
0x3e: {  	s16 =	sshrl.u32 s16, $0x2;
	v5 =	vld [tilespmem:s17+$0xFFFFFFE0]  }
0x3f: {  	v6 =	vld [tilespmem:s17+$0xFFFFFFF0];
	s19 =	sor.u32 $0x8000, s16  }
0x40: {  	s31 =	sand.u32 $0x1, s13;
	v4 =	vld [tilespmem:s17+$0x0];
	s18 =	sadd.s32 $0x0, s19  }
0x41: {  	v3 =	vld [tilespmem:s17+$0x10];
	s16 =	smul.u32 $0x10200, s31;
	[tilespmem:s18+$0x3870 ss:$0x81] =	vst.msk $0xffff, v0  }
0x42: {  	v2 =	vld [tilespmem:s17+$0x20];
	[tilespmem:s18+$0x810 ss:$0x81] =	vst.msk $0xffff, v1  }
0x43: {  	s16 =	sshrl.u32 s16, $0x2;
	v0 =	vld [tilespmem:s17+$0xFFFFFFC0];
	[tilespmem:s18+$0x1020 ss:$0x81] =	vst.msk $0xffff, v5;
	s17 =	sadd.s32 $0x80, s17  }
0x44: {  	s20 =	simm.s32 $0x4;
	s21 =	simm.s32 $0x8;
	s16 =	sor.u32 $0x8000, s16;
	[tilespmem:s18+$0x1830 ss:$0x81] =	vst.msk $0xffff, v6;
	v1 =	vld [tilespmem:s17+$0x30]  }
.LBB1_3:
0x45: {  	p1 =	sne.s32 s21, $0x1FC;
	v5 =	vld [tilespmem:s17+$0xFFFFFFD0];
	[tilespmem:s18+$0x2040 ss:$0x81] =	vst.msk $0xffff, v4  }
0x46: {  	v6 =	vld [tilespmem:s17+$0xFFFFFFE0];
	[tilespmem:s18+$0x2850 ss:$0x81] =	vst.msk $0xffff, v3  }
0x47: {  	s22 =	sshra.s32 s20, $0x2;
	s20 =	smov.u32 s21;
	v7 =	vld [tilespmem:s17+$0xFFFFFFF0];
	[tilespmem:s18+$0x3060 ss:$0x81] =	vst.msk $0xffff, v2  }
.Ltmp3:
0x48: {  	v4 =	vld [tilespmem:s17+$0x0];
	[tilespmem:s18+$0x0 ss:$0x81] =	vst.msk $0xffff, v0;
	s18 =	sadd.s32 s22, s19;
	(pc) =	sbr.rel @p1 .LBB1_3-.Ltmp3, $4  }
0x49: {  	v3 =	vld [tilespmem:s17+$0x10];
	[tilespmem:s18+$0x3870 ss:$0x81] =	vst.msk $0xffff, v1  }
0x4a: {  	[tilespmem:s18+$0x810 ss:$0x81] =	vst.msk $0xffff, v5;
	v2 =	vld [tilespmem:s17+$0x20]  }
0x4b: {  	v0 =	vld [tilespmem:s17+$0xFFFFFFC0];
	[tilespmem:s18+$0x1020 ss:$0x81] =	vst.msk $0xffff, v6;
	s17 =	sadd.s32 $0x80, s17  }
0x4c: {  	s21 =	sadd.s32 $0x4, s21;
	v1 =	vld [tilespmem:s17+$0x30];
	[tilespmem:s18+$0x1830 ss:$0x81] =	vst.msk $0xffff, v7  }
.Ltmp4:
0x4d: {  	_ = 	snop;
	(pc) =	sbr.rel .LBB1_4-.Ltmp4, $1  }
0x4e: {  	_ =	sdelay $0x3  }
.LBB1_6:
0x4f: {  	_ =	sfence.sel $0x180000  }
0x50: {  	s2 =	simm.s32 $0x1;
	[bflag:$0x0] =	sbarrier.arrive $0xFFFF  }
0x51: {  	s31 =	simm.s32 $0x2;
	[sflag:s2] =	ssyncpa.u1 $0x1  }
0x52: {  	[sflag:s31] =	ssyncpa.u1 $0x1  }
0x53: {  	p0 =	sne.s32 s0, $0x0;
	_ =	strace $0x9000004A  }
0x54: {  	s0 =	sadd.s32 @!p0 $0x100000, s1;
	[bflag:$0x2] =	sbarrier.arrive $0xFFFF  }
0x55: {  	[sflag:s0] =	ssyncadd.tile.s32 @!p0 $0x1;
	_ =	shalt  }
.Lfunc_end1:
_tile_overlayer_lowered:
.L_overlay_start_2:
0x56: {  	(tag) =	ssettag $0x2  }
0x57: {  	s0 =	rddreg [dreg:$0x0];
	s2 =	stileid.u32  }
0x58: {  	s1 =	rddreg [dreg:$0x1];
	p0 =	sne.s32 s2, $0x0  }
0x59: {  	s3 =	rddreg [dreg:$0x2];
	[bflag:$0x3] =	sbarrier.arrive $0xFFFF;
	s2 =	simm.s32 @!p0 $0x1C01  }
0x5a: {  	[timem:s3], [sflag:s2] =	dma.local @!p0 [hbm:s0], s1  }
0x5b: {  	s0 =	simm.s32 @!p0 $0x1  }
0x5c: {  	_ =	swait.ge @!p0 [sflag:s0], s1  }
0x5d: {  	s1 =	ssub.s32 @!p0 $0x0, s1;
	[sflag:s0] =	ssyncset.done @!p0 $0x0  }
0x5e: {  	[sflag:s0] =	ssyncadd.s32 @!p0 s1  }
0x5f: {  	[bflag:$0x3] =	sbarrier.arrive $0xFFFF  }
0x60: {  	_ =	shalt  }

</sc_bundles>
